<compile_context>
chip_gen: v7x
topology: tpu7x:2x2x1
jax: 0.10.2.dev20260603
libtpu: 0.0.44.dev20260713+nightly
codegen_flags: <defaults>
</compile_context>

<pallas_src>
import jax
import jax.numpy as jnp
import numpy as np
from jax.experimental import pallas as pl
from jax.experimental.pallas import tpu as pltpu

N_EMB = 8192
EMB_DIM = 32
BETA = 0.25
THRESHOLD = 1.0
ROWS = 16384
T = 256
NT = ROWS // T



def _k1(x_ref, embT_ref, idx_ref, seg_ref, stats_ref):
    i = pl.program_id(0)
    rows = x_ref[...]
    embT = embT_ref[...]
    sim = jnp.dot(rows, embT, preferred_element_type=jnp.float32)
    s1 = jnp.sum(rows * rows, axis=1, keepdims=True)
    s2 = jnp.sum(embT * embT, axis=0, keepdims=True)
    dist = s1 + s2 - 2.0 * sim
    mind = jnp.min(dist, axis=1, keepdims=True)
    codes = jax.lax.broadcasted_iota(jnp.int32, (T, N_EMB), 1)
    idx = jnp.min(jnp.where(dist == mind, codes, jnp.int32(N_EMB)), axis=1)
    idx_ref[0, 0, :] = idx
    one_hot = (codes == idx[:, None]).astype(jnp.float32)
    rows_aug = jnp.concatenate(
        [rows, jnp.ones((T, 1), jnp.float32)], axis=1)
    seg = jax.lax.dot_general(
        one_hot, rows_aug, (((0,), (0,)), ((), ())),
        preferred_element_type=jnp.float32)

    @pl.when(i == 0)
    def _():
        seg_ref[...] = jnp.zeros_like(seg_ref)
        stats_ref[0] = 0.0
        stats_ref[1] = 0.0
        stats_ref[2] = 0.0

    seg_ref[...] += seg
    stats_ref[0] += jnp.sum(rows)
    stats_ref[1] += jnp.sum(s1)
    stats_ref[2] += jnp.sum(jnp.nan_to_num(mind))


def _k3(seg_ref, emb_ref, krand_ref, newk_ref, sc_ref, used_ref):
    seg = seg_ref[...]
    ksum_new = seg[:, :EMB_DIM]
    kelem_new = seg[:, EMB_DIM:EMB_DIM + 1]
    emb = emb_ref[...]
    k_sum = BETA * emb + (1.0 - BETA) * ksum_new
    k_elem = BETA * 1.0 + (1.0 - BETA) * kelem_new
    usage = (k_elem >= THRESHOLD).astype(jnp.float32)
    new_k = usage * (k_sum / k_elem) + (1.0 - usage) * krand_ref[...]
    newk_ref[...] = new_k
    prob = kelem_new / jnp.sum(kelem_new)
    sc_ref[0] = -jnp.sum(prob * jnp.log(prob + 1e-8))
    sc_ref[1] = jnp.sum(usage)
    diff = new_k - emb
    sc_ref[2] = jnp.sum(diff * diff)
    used_ref[0] = jnp.sum((kelem_new >= THRESHOLD).astype(jnp.int32))


def _k2(idx_ref, x_ref, newk_ref, q_ref, comm_ref):
    i = pl.program_id(0)
    idx = idx_ref[0, 0, :]
    rows = x_ref[...]
    newk = newk_ref[...]
    codes = jax.lax.broadcasted_iota(jnp.int32, (T, N_EMB), 1)
    one_hot = (codes == idx[:, None]).astype(jnp.float32)
    q = jnp.dot(one_hot, newk, preferred_element_type=jnp.float32)
    q_ref[...] = q

    @pl.when(i == 0)
    def _():
        comm_ref[0] = 0.0

    d = q - rows
    comm_ref[0] += jnp.sum(d * d)


def kernel(x, embeddings):
    xt = jnp.swapaxes(x, 1, -1)
    flat_x = xt.reshape(ROWS, EMB_DIM)
    embT = embeddings.T

    idx3, seg, stats = pl.pallas_call(
        _k1,
        grid=(NT,),
        in_specs=[
            pl.BlockSpec((T, EMB_DIM), lambda i: (i, 0)),
            pl.BlockSpec((EMB_DIM, N_EMB), lambda i: (0, 0)),
        ],
        out_specs=[
            pl.BlockSpec((1, 1, T), lambda i: (i, 0, 0)),
            pl.BlockSpec((N_EMB, EMB_DIM + 1), lambda i: (0, 0)),
            pl.BlockSpec(memory_space=pltpu.SMEM),
        ],
        out_shape=[
            jax.ShapeDtypeStruct((NT, 1, T), jnp.int32),
            jax.ShapeDtypeStruct((N_EMB, EMB_DIM + 1), jnp.float32),
            jax.ShapeDtypeStruct((4,), jnp.float32),
        ],
    )(flat_x, embT)

    perm = jax.random.permutation(jax.random.key(42), ROWS)[:N_EMB]
    k_rand = jnp.take(flat_x, perm, axis=0)

    new_k, sc, usedc = pl.pallas_call(
        _k3,
        in_specs=[
            pl.BlockSpec((N_EMB, EMB_DIM + 1), lambda: (0, 0)),
            pl.BlockSpec((N_EMB, EMB_DIM), lambda: (0, 0)),
            pl.BlockSpec((N_EMB, EMB_DIM), lambda: (0, 0)),
        ],
        out_specs=[
            pl.BlockSpec((N_EMB, EMB_DIM), lambda: (0, 0)),
            pl.BlockSpec(memory_space=pltpu.SMEM),
            pl.BlockSpec(memory_space=pltpu.SMEM),
        ],
        out_shape=[
            jax.ShapeDtypeStruct((N_EMB, EMB_DIM), jnp.float32),
            jax.ShapeDtypeStruct((4,), jnp.float32),
            jax.ShapeDtypeStruct((1,), jnp.int32),
        ],
    )(seg, embeddings, k_rand)

    q_flat, comm = pl.pallas_call(
        _k2,
        grid=(NT,),
        in_specs=[
            pl.BlockSpec((1, 1, T), lambda i: (i, 0, 0)),
            pl.BlockSpec((T, EMB_DIM), lambda i: (i, 0)),
            pl.BlockSpec((N_EMB, EMB_DIM), lambda i: (0, 0)),
        ],
        out_specs=[
            pl.BlockSpec((T, EMB_DIM), lambda i: (i, 0)),
            pl.BlockSpec(memory_space=pltpu.SMEM),
        ],
        out_shape=[
            jax.ShapeDtypeStruct((ROWS, EMB_DIM), jnp.float32),
            jax.ShapeDtypeStruct((1,), jnp.float32),
        ],
    )(idx3, flat_x, new_k)

    quantized = jnp.swapaxes(q_flat.reshape(xt.shape), 1, -1)
    out = x + jax.lax.stop_gradient(quantized - x)

    n = float(ROWS * EMB_DIM)
    mean = stats[0] / n
    prenorm = jnp.sqrt(jnp.maximum(stats[1] - n * mean * mean, 0.0) / n)
    fit = stats[2] / float(ROWS)
    loss = BETA * comm[0] / n
    entropy = sc[0]
    usage_sum = sc[1]
    dk = jnp.nan_to_num(jnp.sqrt(sc[2]) / np.sqrt(float(N_EMB * EMB_DIM)))
    used_curr = usedc[0]
    return (out, quantized, loss, fit, prenorm, entropy, used_curr,
            usage_sum, dk)

# --- scband reference (transcript-rebuilt; emitter-appended) ---
"""Pipeline reference for scband-vector-quantizer-73761768342107 (READ-ONLY COPY).

The authoritative reference and input builder live on the scoring server;
editing this copy changes nothing except your own understanding.
"""

import jax, jax.numpy as jnp
import numpy as np

N_EMB = 8192
EMB_DIM = 32
BETA = 0.25
THRESHOLD = 1.0


def setup_inputs(seed: int = 0) -> dict:
    key = jax.random.key(seed)
    k1, k2 = jax.random.split(key)
    x = jax.random.normal(k1, (16, 32, 32, 32), dtype=jnp.float32)
    embeddings = jax.random.normal(k2, (N_EMB, EMB_DIM), dtype=jnp.float32) * 0.1
    return {"x": x, "embeddings": embeddings}


def _preprocess(x):
    # chn_dim = 1: transpose channel to last, flatten to [-1, emb_dim]
    xt = jnp.swapaxes(x, 1, -1)
    flat = xt.reshape(-1, EMB_DIM)
    prenorm = jnp.linalg.norm(flat - jnp.mean(flat)) / np.sqrt(float(flat.size))
    return flat, prenorm


def _get_code_indices(flat_x, embeddings):
    similarity = flat_x @ embeddings.T
    s1 = jnp.sum(flat_x ** 2, axis=1, keepdims=True)
    s2 = jnp.sum(embeddings.T ** 2, axis=0)
    distances = s1 + s2 - 2.0 * similarity
    encoding_indices = jnp.argmin(distances, axis=1)
    min_distance = jnp.min(distances, axis=1)
    fit = jnp.mean(jnp.nan_to_num(min_distance))
    return encoding_indices, fit


def _update_codebook(flat_x, idx, embeddings, k_sum, k_elem):
    # mirrors torch.no_grad() block
    flat_x = jax.lax.stop_gradient(flat_x)
    _k_sum = jax.ops.segment_sum(flat_x, idx, num_segments=N_EMB)
    _k_elem = jnp.bincount(idx, length=N_EMB).astype(jnp.float32)
    # _tile: flat_x rows (16384) >= N_EMB (8192), so no tiling needed
    perm = jax.random.permutation(jax.random.key(42), flat_x.shape[0])
    _k_rand = flat_x[perm][:N_EMB]
    old_k = embeddings
    k_sum = BETA * k_sum + (1.0 - BETA) * _k_sum
    k_elem = BETA * k_elem + (1.0 - BETA) * _k_elem
    usage = (k_elem[:, None] >= THRESHOLD).astype(jnp.float32)
    new_k = k_sum / k_elem[:, None]
    new_k = usage * new_k + (1.0 - usage) * _k_rand  # random restart
    _k_prob = _k_elem / jnp.sum(_k_elem)
    entropy = -jnp.sum(_k_prob * jnp.log(_k_prob + 1e-08))
    used_curr = jnp.sum(_k_elem >= THRESHOLD)
    usage_sum = jnp.sum(usage)
    dk = jnp.nan_to_num(jnp.linalg.norm(new_k - old_k) / np.sqrt(float(old_k.size)))
    return new_k, entropy, used_curr, usage_sum, dk


def reference(x, embeddings):
    x_shape = list(x.shape)
    x_shape[-1], x_shape[1] = x_shape[1], x_shape[-1]
    flat_x, prenorm = _preprocess(x)
    # init_codebook state: k_sum = embeddings.clone(), k_elem = ones
    k_sum = jax.lax.stop_gradient(embeddings)
    k_elem = jnp.ones((N_EMB,), dtype=jnp.float32)
    encoding_indices, fit = _get_code_indices(flat_x, embeddings)
    new_emb, entropy, used_curr, usage_sum, dk = _update_codebook(
        flat_x, encoding_indices, jax.lax.stop_gradient(embeddings), k_sum, k_elem)
    new_emb = jax.lax.stop_gradient(new_emb)
    # quantize with UPDATED embeddings (as torch code does)
    quantized = jnp.take(new_emb, encoding_indices, axis=0)
    quantized = quantized.reshape(x_shape)
    quantized = jnp.swapaxes(quantized, 1, -1)
    commit_loss = BETA * jnp.mean((jax.lax.stop_gradient(quantized) - x) ** 2)
    loss = commit_loss  # ema_update=True -> codebook_loss == 0
    out = x + jax.lax.stop_gradient(quantized - x)
    return (out, quantized, loss, fit, prenorm, entropy, used_curr, usage_sum, dk)

if __name__ == "__main__":
    import jax
    _d = setup_inputs()
    print(jax.jit(kernel)(*tuple(_d.values())))

</pallas_src>

<mosaic_0001>
module attributes {stable_mosaic.version = 14 : i64} {
  func.func @_k1(%arg0: i32, %arg1: memref<256x32xf32, #tpu.memory_space<vmem>>, %arg2: memref<32x8192xf32, #tpu.memory_space<vmem>>, %arg3: memref<1x1x256xi32, #tpu.memory_space<vmem>>, %arg4: memref<8192x33xf32, #tpu.memory_space<vmem>>, %arg5: memref<4xf32, #tpu.memory_space<smem>>) attributes {dimension_semantics = [#tpu.dimension_semantics<arbitrary>], iteration_bounds = array<i64: 64>, scalar_prefetch = 0 : i64, scratch_operands = 0 : i64, tpu.core_type = #tpu.core_type<tc>, window_params = [{transform_indices = @transform_0, window_bounds = array<i64: 256, 32>}, {pipeline_mode = #tpu.pipeline_mode<synchronous>, transform_indices = @transform_1, window_bounds = array<i64: 32, 8192>}, {transform_indices = @transform_2, window_bounds = array<i64: 1, 1, 256>}, {pipeline_mode = #tpu.pipeline_mode<synchronous>, transform_indices = @transform_3, window_bounds = array<i64: 8192, 33>}, {transform_indices = @transform_4, window_bounds = array<i64: 4>}]} {
    %get3A = arith.constant 0 : index
    %get3A_0 = arith.constant 0 : index
    %get3A_1 = vector.load %arg1[%get3A, %get3A_0] : memref<256x32xf32, #tpu.memory_space<vmem>>, vector<256x32xf32>
    %get3A_2 = arith.constant 0 : index
    %get3A_3 = arith.constant 0 : index
    %get3A_4 = vector.load %arg2[%get3A_2, %get3A_3] : memref<32x8192xf32, #tpu.memory_space<vmem>>, vector<32x8192xf32>
    %dot_general3A = arith.constant dense<0.000000e+00> : vector<256x8192xf32>
    %dot_general3A_5 = tpu.matmul %get3A_1, %get3A_4, %dot_general3A {dimension_numbers = #tpu.dot_dimension_numbers<[1], [0], [0], [1], [0, 0, 1, 1], [], []>, transpose_lhs_hint = false} : vector<256x32xf32>, vector<32x8192xf32>, vector<256x8192xf32> -> vector<256x8192xf32>
    %mul3A = arith.mulf %get3A_1, %get3A_1 : vector<256x32xf32>
    %reduce_sum3A = arith.constant dense<0.000000e+00> : vector<256xf32>
    %reduce_sum3A_6 = vector.multi_reduction <add>, %mul3A, %reduce_sum3A [1] : vector<256x32xf32> to vector<256xf32>
    %broadcast_in_dim3A = vector.shape_cast %reduce_sum3A_6 : vector<256xf32> to vector<256x1xf32>
    %mul3A_7 = arith.mulf %get3A_4, %get3A_4 : vector<32x8192xf32>
    %reduce_sum3A_8 = arith.constant dense<0.000000e+00> : vector<8192xf32>
    %reduce_sum3A_9 = vector.multi_reduction <add>, %mul3A_7, %reduce_sum3A_8 [0] : vector<32x8192xf32> to vector<8192xf32>
    %broadcast_in_dim3A_10 = vector.shape_cast %reduce_sum3A_9 : vector<8192xf32> to vector<1x8192xf32>
    %add3A = vector.broadcast %broadcast_in_dim3A : vector<256x1xf32> to vector<256x8192xf32>
    %add3A_11 = vector.broadcast %broadcast_in_dim3A_10 : vector<1x8192xf32> to vector<256x8192xf32>
    %add3A_12 = arith.addf %add3A, %add3A_11 : vector<256x8192xf32>
    %mul3A_13 = arith.constant 2.000000e+00 : f32
    %mul3A_14 = vector.broadcast %mul3A_13 : f32 to vector<256x8192xf32>
    %mul3A_15 = arith.mulf %mul3A_14, %dot_general3A_5 : vector<256x8192xf32>
    %sub3A = arith.subf %add3A_12, %mul3A_15 : vector<256x8192xf32>
    %reduce_min3A = arith.constant dense<0x7F800000> : vector<256xf32>
    %reduce_min3A_16 = vector.multi_reduction <minimumf>, %sub3A, %reduce_min3A [1] : vector<256x8192xf32> to vector<256xf32>
    %broadcast_in_dim3A_17 = vector.shape_cast %reduce_min3A_16 : vector<256xf32> to vector<256x1xf32>
    %iota3A = tpu.iota {dimensions = array<i32: 1>} : vector<256x8192xi32>
    %eq3A = vector.broadcast %broadcast_in_dim3A_17 : vector<256x1xf32> to vector<256x8192xf32>
    %eq3A_18 = arith.cmpf oeq, %sub3A, %eq3A : vector<256x8192xf32>
    %jit3A = arith.constant 8192 : i32
    %broadcast_in_dim3A_19 = vector.broadcast %jit3A : i32 to vector<256x8192xi32>
    %select_n3A = arith.select %eq3A_18, %iota3A, %broadcast_in_dim3A_19 : vector<256x8192xi1>, vector<256x8192xi32>
    %reduce_min3A_20 = arith.constant dense<2147483647> : vector<256xi32>
    %reduce_min3A_21 = vector.multi_reduction <minsi>, %select_n3A, %reduce_min3A_20 [1] : vector<256x8192xi32> to vector<256xi32>
    %swap3A = arith.constant 0 : index
    %swap3A_22 = arith.constant 0 : index
    %swap3A_23 = arith.constant 0 : index
    %swap3A_24 = vector.load %arg3[%swap3A, %swap3A_22, %swap3A_23] : memref<1x1x256xi32, #tpu.memory_space<vmem>>, vector<1x1x256xi32>
    %swap3A_25 = vector.shape_cast %swap3A_24 : vector<1x1x256xi32> to vector<256xi32>
    %swap3A_26 = vector.shape_cast %reduce_min3A_21 : vector<256xi32> to vector<1x1x256xi32>
    tpu.vector_store %arg3[%swap3A, %swap3A_22, %swap3A_23], %swap3A_26 {strides = array<i32>} : memref<1x1x256xi32, #tpu.memory_space<vmem>>, vector<1x1x256xi32>,
    %broadcast_in_dim3A_27 = vector.shape_cast %reduce_min3A_21 : vector<256xi32> to vector<256x1xi32>
    %eq3A_28 = vector.broadcast %broadcast_in_dim3A_27 : vector<256x1xi32> to vector<256x8192xi32>
    %eq3A_29 = arith.cmpi eq, %iota3A, %eq3A_28 : vector<256x8192xi32>
    %convert_element_type3A = arith.extui %eq3A_29 : vector<256x8192xi1> to vector<256x8192xi32>
    %convert_element_type3A_30 = arith.sitofp %convert_element_type3A : vector<256x8192xi32> to vector<256x8192xf32>
    %broadcast_in_dim3A_31 = arith.constant 1.000000e+00 : f32
    %broadcast_in_dim3A_32 = vector.broadcast %broadcast_in_dim3A_31 : f32 to vector<256x1xf32>
    %concatenate3A = tpu.concatenate %get3A_1, %broadcast_in_dim3A_32 in 1 : vector<256x32xf32>, vector<256x1xf32> -> vector<256x33xf32>
    %dot_general3A_33 = arith.constant dense<0.000000e+00> : vector<8192x33xf32>
    %dot_general3A_34 = tpu.matmul %convert_element_type3A_30, %concatenate3A, %dot_general3A_33 {dimension_numbers = #tpu.dot_dimension_numbers<[0], [0], [1], [1], [0, 1, 1, 1], [], []>, transpose_lhs_hint = false} : vector<256x8192xf32>, vector<256x33xf32>, vector<8192x33xf32> -> vector<8192x33xf32>
    %eq3A_35 = arith.constant 0 : i32
    %eq3A_36 = arith.cmpi eq, %arg0, %eq3A_35 : i32
    %convert_element_type3A_37 = arith.extui %eq3A_36 : i1 to i32
    %cond3A = arith.constant 0 : i32
    %cond3A_38 = arith.cmpi ne, %convert_element_type3A_37, %cond3A : i32
    scf.if %cond3A_38 {
      %broadcast_in_dim3A_91 = arith.constant 0.000000e+00 : f32
      %broadcast_in_dim3A_92 = vector.broadcast %broadcast_in_dim3A_91 : f32 to vector<8192x33xf32>
      %swap3A_93 = arith.constant 0 : index
      %swap3A_94 = arith.constant 0 : index
      %swap3A_95 = vector.load %arg4[%swap3A_93, %swap3A_94] : memref<8192x33xf32, #tpu.memory_space<vmem>>, vector<8192x33xf32>
      tpu.vector_store %arg4[%swap3A_93, %swap3A_94], %broadcast_in_dim3A_92 {strides = array<i32>} : memref<8192x33xf32, #tpu.memory_space<vmem>>, vector<8192x33xf32>,
      %swap3A_96 = arith.constant 0.000000e+00 : f32
      %swap3A_97 = arith.constant 0 : index
      %swap3A_98 = memref.load %arg5[%swap3A_97] : memref<4xf32, #tpu.memory_space<smem>>
      memref.store %swap3A_96, %arg5[%swap3A_97] : memref<4xf32, #tpu.memory_space<smem>>
      %swap3A_99 = arith.constant 0.000000e+00 : f32
      %swap3A_100 = arith.constant 1 : index
      %swap3A_101 = memref.load %arg5[%swap3A_100] : memref<4xf32, #tpu.memory_space<smem>>
      memref.store %swap3A_99, %arg5[%swap3A_100] : memref<4xf32, #tpu.memory_space<smem>>
      %swap3A_102 = arith.constant 0.000000e+00 : f32
      %swap3A_103 = arith.constant 2 : index
      %swap3A_104 = memref.load %arg5[%swap3A_103] : memref<4xf32, #tpu.memory_space<smem>>
      memref.store %swap3A_102, %arg5[%swap3A_103] : memref<4xf32, #tpu.memory_space<smem>>
    } else {
    }
    %get3A_39 = arith.constant 0 : index
    %get3A_40 = arith.constant 0 : index
    %get3A_41 = vector.load %arg4[%get3A_39, %get3A_40] : memref<8192x33xf32, #tpu.memory_space<vmem>>, vector<8192x33xf32>
    %add3A_42 = arith.addf %get3A_41, %dot_general3A_34 : vector<8192x33xf32>
    %swap3A_43 = arith.constant 0 : index
    %swap3A_44 = arith.constant 0 : index
    %swap3A_45 = vector.load %arg4[%swap3A_43, %swap3A_44] : memref<8192x33xf32, #tpu.memory_space<vmem>>, vector<8192x33xf32>
    tpu.vector_store %arg4[%swap3A_43, %swap3A_44], %add3A_42 {strides = array<i32>} : memref<8192x33xf32, #tpu.memory_space<vmem>>, vector<8192x33xf32>,
    %get3A_46 = arith.constant 0 : index
    %get3A_47 = memref.load %arg5[%get3A_46] : memref<4xf32, #tpu.memory_space<smem>>
    %reduce_sum3A_48 = vector.shape_cast %get3A_1 : vector<256x32xf32> to vector<1x256x32xf32>
    %reduce_sum3A_49 = arith.constant dense<0.000000e+00> : vector<1xf32>
    %reduce_sum3A_50 = vector.multi_reduction <add>, %reduce_sum3A_48, %reduce_sum3A_49 [1, 2] : vector<1x256x32xf32> to vector<1xf32>
    %reduce_sum3A_51 = vector.shape_cast %reduce_sum3A_50 : vector<1xf32> to vector<1x1x1xf32>
    %reduce_sum3A_52 = vector.extract %reduce_sum3A_51[0, 0, 0] : f32 from vector<1x1x1xf32>
    %add3A_53 = arith.addf %get3A_47, %reduce_sum3A_52 : f32
    %swap3A_54 = arith.constant 0 : index
    %swap3A_55 = memref.load %arg5[%swap3A_54] : memref<4xf32, #tpu.memory_space<smem>>
    memref.store %add3A_53, %arg5[%swap3A_54] : memref<4xf32, #tpu.memory_space<smem>>
    %get3A_56 = arith.constant 1 : index
    %get3A_57 = memref.load %arg5[%get3A_56] : memref<4xf32, #tpu.memory_space<smem>>
    %reduce_sum3A_58 = vector.shape_cast %broadcast_in_dim3A : vector<256x1xf32> to vector<1x256x1xf32>
    %reduce_sum3A_59 = arith.constant dense<0.000000e+00> : vector<1xf32>
    %reduce_sum3A_60 = vector.multi_reduction <add>, %reduce_sum3A_58, %reduce_sum3A_59 [1, 2] : vector<1x256x1xf32> to vector<1xf32>
    %reduce_sum3A_61 = vector.shape_cast %reduce_sum3A_60 : vector<1xf32> to vector<1x1x1xf32>
    %reduce_sum3A_62 = vector.extract %reduce_sum3A_61[0, 0, 0] : f32 from vector<1x1x1xf32>
    %add3A_63 = arith.addf %get3A_57, %reduce_sum3A_62 : f32
    %swap3A_64 = arith.constant 1 : index
    %swap3A_65 = memref.load %arg5[%swap3A_64] : memref<4xf32, #tpu.memory_space<smem>>
    memref.store %add3A_63, %arg5[%swap3A_64] : memref<4xf32, #tpu.memory_space<smem>>
    %get3A_66 = arith.constant 2 : index
    %get3A_67 = memref.load %arg5[%get3A_66] : memref<4xf32, #tpu.memory_space<smem>>
    %ne3A = arith.cmpf one, %broadcast_in_dim3A_17, %broadcast_in_dim3A_17 : vector<256x1xf32>
    %jit3A_68 = arith.constant 0.000000e+00 : f32
    %broadcast_in_dim3A_69 = vector.broadcast %jit3A_68 : f32 to vector<256x1xf32>
    %select_n3A_70 = arith.select %ne3A, %broadcast_in_dim3A_69, %broadcast_in_dim3A_17 : vector<256x1xi1>, vector<256x1xf32>
    %eq3A_71 = arith.constant 0x7F800000 : f32
    %eq3A_72 = vector.broadcast %eq3A_71 : f32 to vector<256x1xf32>
    %eq3A_73 = arith.cmpf oeq, %select_n3A_70, %eq3A_72 : vector<256x1xf32>
    %jit3A_74 = arith.constant 3.40282347E+38 : f32
    %broadcast_in_dim3A_75 = vector.broadcast %jit3A_74 : f32 to vector<256x1xf32>
    %select_n3A_76 = arith.select %eq3A_73, %broadcast_in_dim3A_75, %select_n3A_70 : vector<256x1xi1>, vector<256x1xf32>
    %eq3A_77 = arith.constant 0xFF800000 : f32
    %eq3A_78 = vector.broadcast %eq3A_77 : f32 to vector<256x1xf32>
    %eq3A_79 = arith.cmpf oeq, %select_n3A_76, %eq3A_78 : vector<256x1xf32>
    %jit3A_80 = arith.constant -3.40282347E+38 : f32
    %broadcast_in_dim3A_81 = vector.broadcast %jit3A_80 : f32 to vector<256x1xf32>
    %select_n3A_82 = arith.select %eq3A_79, %broadcast_in_dim3A_81, %select_n3A_76 : vector<256x1xi1>, vector<256x1xf32>
    %reduce_sum3A_83 = vector.shape_cast %select_n3A_82 : vector<256x1xf32> to vector<1x256x1xf32>
    %reduce_sum3A_84 = arith.constant dense<0.000000e+00> : vector<1xf32>
    %reduce_sum3A_85 = vector.multi_reduction <add>, %reduce_sum3A_83, %reduce_sum3A_84 [1, 2] : vector<1x256x1xf32> to vector<1xf32>
    %reduce_sum3A_86 = vector.shape_cast %reduce_sum3A_85 : vector<1xf32> to vector<1x1x1xf32>
    %reduce_sum3A_87 = vector.extract %reduce_sum3A_86[0, 0, 0] : f32 from vector<1x1x1xf32>
    %add3A_88 = arith.addf %get3A_67, %reduce_sum3A_87 : f32
    %swap3A_89 = arith.constant 2 : index
    %swap3A_90 = memref.load %arg5[%swap3A_89] : memref<4xf32, #tpu.memory_space<smem>>
    memref.store %add3A_88, %arg5[%swap3A_89] : memref<4xf32, #tpu.memory_space<smem>>
    return
  }
  func.func @transform_0(%arg0: i32) -> (i32, i32) {
    %c0_i32 = arith.constant 0 : i32
    %c0_i32_0 = arith.constant 0 : i32
    return %arg0, %c0_i32 : i32, i32
  }
  func.func @transform_1(%arg0: i32) -> (i32, i32) {
    %c0_i32 = arith.constant 0 : i32
    %c0_i32_0 = arith.constant 0 : i32
    %c0_i32_1 = arith.constant 0 : i32
    return %c0_i32, %c0_i32_0 : i32, i32
  }
  func.func @transform_2(%arg0: i32) -> (i32, i32, i32) {
    %c0_i32 = arith.constant 0 : i32
    %c0_i32_0 = arith.constant 0 : i32
    %c0_i32_1 = arith.constant 0 : i32
    return %arg0, %c0_i32, %c0_i32_0 : i32, i32, i32
  }
  func.func @transform_3(%arg0: i32) -> (i32, i32) {
    %c0_i32 = arith.constant 0 : i32
    %c0_i32_0 = arith.constant 0 : i32
    %c0_i32_1 = arith.constant 0 : i32
    return %c0_i32, %c0_i32_0 : i32, i32
  }
  func.func @transform_4(%arg0: i32) -> i32 {
    %c0_i32 = arith.constant 0 : i32
    %c0_i32_0 = arith.constant 0 : i32
    return %c0_i32 : i32
  }
}

module attributes {stable_mosaic.version = 14 : i64} {
  func.func @_k3(%arg0: memref<8192x33xf32, #tpu.memory_space<vmem>>, %arg1: memref<8192x32xf32, #tpu.memory_space<vmem>>, %arg2: memref<8192x32xf32, #tpu.memory_space<vmem>>, %arg3: memref<8192x32xf32, #tpu.memory_space<vmem>>, %arg4: memref<4xf32, #tpu.memory_space<smem>>, %arg5: memref<1xi32, #tpu.memory_space<smem>>) attributes {dimension_semantics = [], scalar_prefetch = 0 : i64, scratch_operands = 0 : i64, tpu.core_type = #tpu.core_type<tc>} {
    %get3A = arith.constant 0 : index
    %get3A_0 = arith.constant 0 : index
    %get3A_1 = vector.load %arg0[%get3A, %get3A_0] : memref<8192x33xf32, #tpu.memory_space<vmem>>, vector<8192x33xf32>
    %slice3A = vector.extract_strided_slice %get3A_1 {offsets = [0, 0], sizes = [8192, 32], strides = [1, 1]} : vector<8192x33xf32> to vector<8192x32xf32>
    %slice3A_2 = vector.extract_strided_slice %get3A_1 {offsets = [0, 32], sizes = [8192, 1], strides = [1, 1]} : vector<8192x33xf32> to vector<8192x1xf32>
    %get3A_3 = arith.constant 0 : index
    %get3A_4 = arith.constant 0 : index
    %get3A_5 = vector.load %arg1[%get3A_3, %get3A_4] : memref<8192x32xf32, #tpu.memory_space<vmem>>, vector<8192x32xf32>
    %mul3A = arith.constant 2.500000e-01 : f32
    %mul3A_6 = vector.broadcast %mul3A : f32 to vector<8192x32xf32>
    %mul3A_7 = arith.mulf %mul3A_6, %get3A_5 : vector<8192x32xf32>
    %mul3A_8 = arith.constant 7.500000e-01 : f32
    %mul3A_9 = vector.broadcast %mul3A_8 : f32 to vector<8192x32xf32>
    %mul3A_10 = arith.mulf %mul3A_9, %slice3A : vector<8192x32xf32>
    %add3A = arith.addf %mul3A_7, %mul3A_10 : vector<8192x32xf32>
    %mul3A_11 = arith.constant 7.500000e-01 : f32
    %mul3A_12 = vector.broadcast %mul3A_11 : f32 to vector<8192x1xf32>
    %mul3A_13 = arith.mulf %mul3A_12, %slice3A_2 : vector<8192x1xf32>
    %add3A_14 = arith.constant 2.500000e-01 : f32
    %add3A_15 = vector.broadcast %add3A_14 : f32 to vector<8192x1xf32>
    %add3A_16 = arith.addf %add3A_15, %mul3A_13 : vector<8192x1xf32>
    %ge3A = arith.constant 1.000000e+00 : f32
    %ge3A_17 = vector.broadcast %ge3A : f32 to vector<8192x1xf32>
    %ge3A_18 = arith.cmpf oge, %add3A_16, %ge3A_17 : vector<8192x1xf32>
    %convert_element_type3A = arith.extui %ge3A_18 : vector<8192x1xi1> to vector<8192x1xi32>
    %convert_element_type3A_19 = arith.sitofp %convert_element_type3A : vector<8192x1xi32> to vector<8192x1xf32>
    %div3A = vector.broadcast %add3A_16 : vector<8192x1xf32> to vector<8192x32xf32>
    %div3A_20 = arith.divf %add3A, %div3A : vector<8192x32xf32>
    %mul3A_21 = vector.broadcast %convert_element_type3A_19 : vector<8192x1xf32> to vector<8192x32xf32>
    %mul3A_22 = arith.mulf %mul3A_21, %div3A_20 : vector<8192x32xf32>
    %sub3A = arith.constant 1.000000e+00 : f32
    %sub3A_23 = vector.broadcast %sub3A : f32 to vector<8192x1xf32>
    %sub3A_24 = arith.subf %sub3A_23, %convert_element_type3A_19 : vector<8192x1xf32>
    %get3A_25 = arith.constant 0 : index
    %get3A_26 = arith.constant 0 : index
    %get3A_27 = vector.load %arg2[%get3A_25, %get3A_26] : memref<8192x32xf32, #tpu.memory_space<vmem>>, vector<8192x32xf32>
    %mul3A_28 = vector.broadcast %sub3A_24 : vector<8192x1xf32> to vector<8192x32xf32>
    %mul3A_29 = arith.mulf %mul3A_28, %get3A_27 : vector<8192x32xf32>
    %add3A_30 = arith.addf %mul3A_22, %mul3A_29 : vector<8192x32xf32>
    %swap3A = arith.constant 0 : index
    %swap3A_31 = arith.constant 0 : index
    %swap3A_32 = vector.load %arg3[%swap3A, %swap3A_31] : memref<8192x32xf32, #tpu.memory_space<vmem>>, vector<8192x32xf32>
    tpu.vector_store %arg3[%swap3A, %swap3A_31], %add3A_30 {strides = array<i32>} : memref<8192x32xf32, #tpu.memory_space<vmem>>, vector<8192x32xf32>,
    %reduce_sum3A = vector.shape_cast %slice3A_2 : vector<8192x1xf32> to vector<1x8192x1xf32>
    %reduce_sum3A_33 = arith.constant dense<0.000000e+00> : vector<1xf32>
    %reduce_sum3A_34 = vector.multi_reduction <add>, %reduce_sum3A, %reduce_sum3A_33 [1, 2] : vector<1x8192x1xf32> to vector<1xf32>
    %reduce_sum3A_35 = vector.shape_cast %reduce_sum3A_34 : vector<1xf32> to vector<1x1x1xf32>
    %reduce_sum3A_36 = vector.extract %reduce_sum3A_35[0, 0, 0] : f32 from vector<1x1x1xf32>
    %div3A_37 = vector.broadcast %reduce_sum3A_36 : f32 to vector<8192x1xf32>
    %div3A_38 = arith.divf %slice3A_2, %div3A_37 : vector<8192x1xf32>
    %add3A_39 = arith.constant 9.99999993E-9 : f32
    %add3A_40 = vector.broadcast %add3A_39 : f32 to vector<8192x1xf32>
    %add3A_41 = arith.addf %div3A_38, %add3A_40 : vector<8192x1xf32>
    %log3A = math.log %add3A_41 : vector<8192x1xf32>
    %mul3A_42 = arith.mulf %div3A_38, %log3A : vector<8192x1xf32>
    %reduce_sum3A_43 = vector.shape_cast %mul3A_42 : vector<8192x1xf32> to vector<1x8192x1xf32>
    %reduce_sum3A_44 = arith.constant dense<0.000000e+00> : vector<1xf32>
    %reduce_sum3A_45 = vector.multi_reduction <add>, %reduce_sum3A_43, %reduce_sum3A_44 [1, 2] : vector<1x8192x1xf32> to vector<1xf32>
    %reduce_sum3A_46 = vector.shape_cast %reduce_sum3A_45 : vector<1xf32> to vector<1x1x1xf32>
    %reduce_sum3A_47 = vector.extract %reduce_sum3A_46[0, 0, 0] : f32 from vector<1x1x1xf32>
    %neg3A = arith.constant 0.000000e+00 : f32
    %neg3A_48 = arith.subf %neg3A, %reduce_sum3A_47 : f32
    %swap3A_49 = arith.constant 0 : index
    %swap3A_50 = memref.load %arg4[%swap3A_49] : memref<4xf32, #tpu.memory_space<smem>>
    memref.store %neg3A_48, %arg4[%swap3A_49] : memref<4xf32, #tpu.memory_space<smem>>
    %reduce_sum3A_51 = vector.shape_cast %convert_element_type3A_19 : vector<8192x1xf32> to vector<1x8192x1xf32>
    %reduce_sum3A_52 = arith.constant dense<0.000000e+00> : vector<1xf32>
    %reduce_sum3A_53 = vector.multi_reduction <add>, %reduce_sum3A_51, %reduce_sum3A_52 [1, 2] : vector<1x8192x1xf32> to vector<1xf32>
    %reduce_sum3A_54 = vector.shape_cast %reduce_sum3A_53 : vector<1xf32> to vector<1x1x1xf32>
    %reduce_sum3A_55 = vector.extract %reduce_sum3A_54[0, 0, 0] : f32 from vector<1x1x1xf32>
    %swap3A_56 = arith.constant 1 : index
    %swap3A_57 = memref.load %arg4[%swap3A_56] : memref<4xf32, #tpu.memory_space<smem>>
    memref.store %reduce_sum3A_55, %arg4[%swap3A_56] : memref<4xf32, #tpu.memory_space<smem>>
    %sub3A_58 = arith.subf %add3A_30, %get3A_5 : vector<8192x32xf32>
    %mul3A_59 = arith.mulf %sub3A_58, %sub3A_58 : vector<8192x32xf32>
    %reduce_sum3A_60 = vector.shape_cast %mul3A_59 : vector<8192x32xf32> to vector<1x8192x32xf32>
    %reduce_sum3A_61 = arith.constant dense<0.000000e+00> : vector<1xf32>
    %reduce_sum3A_62 = vector.multi_reduction <add>, %reduce_sum3A_60, %reduce_sum3A_61 [1, 2] : vector<1x8192x32xf32> to vector<1xf32>
    %reduce_sum3A_63 = vector.shape_cast %reduce_sum3A_62 : vector<1xf32> to vector<1x1x1xf32>
    %reduce_sum3A_64 = vector.extract %reduce_sum3A_63[0, 0, 0] : f32 from vector<1x1x1xf32>
    %swap3A_65 = arith.constant 2 : index
    %swap3A_66 = memref.load %arg4[%swap3A_65] : memref<4xf32, #tpu.memory_space<smem>>
    memref.store %reduce_sum3A_64, %arg4[%swap3A_65] : memref<4xf32, #tpu.memory_space<smem>>
    %ge3A_67 = arith.constant 1.000000e+00 : f32
    %ge3A_68 = vector.broadcast %ge3A_67 : f32 to vector<8192x1xf32>
    %ge3A_69 = arith.cmpf oge, %slice3A_2, %ge3A_68 : vector<8192x1xf32>
    %convert_element_type3A_70 = arith.extui %ge3A_69 : vector<8192x1xi1> to vector<8192x1xi32>
    %reduce_sum3A_71 = vector.shape_cast %convert_element_type3A_70 : vector<8192x1xi32> to vector<1x8192x1xi32>
    %reduce_sum3A_72 = arith.constant dense<0> : vector<1xi32>
    %reduce_sum3A_73 = vector.multi_reduction <add>, %reduce_sum3A_71, %reduce_sum3A_72 [1, 2] : vector<1x8192x1xi32> to vector<1xi32>
    %reduce_sum3A_74 = vector.shape_cast %reduce_sum3A_73 : vector<1xi32> to vector<1x1x1xi32>
    %reduce_sum3A_75 = vector.extract %reduce_sum3A_74[0, 0, 0] : i32 from vector<1x1x1xi32>
    %swap3A_76 = arith.constant 0 : index
    %swap3A_77 = memref.load %arg5[%swap3A_76] : memref<1xi32, #tpu.memory_space<smem>>
    memref.store %reduce_sum3A_75, %arg5[%swap3A_76] : memref<1xi32, #tpu.memory_space<smem>>
    return
  }
}

module attributes {stable_mosaic.version = 14 : i64} {
  func.func @_k2(%arg0: i32, %arg1: memref<1x1x256xi32, #tpu.memory_space<vmem>>, %arg2: memref<256x32xf32, #tpu.memory_space<vmem>>, %arg3: memref<8192x32xf32, #tpu.memory_space<vmem>>, %arg4: memref<256x32xf32, #tpu.memory_space<vmem>>, %arg5: memref<1xf32, #tpu.memory_space<smem>>) attributes {dimension_semantics = [#tpu.dimension_semantics<arbitrary>], iteration_bounds = array<i64: 64>, scalar_prefetch = 0 : i64, scratch_operands = 0 : i64, tpu.core_type = #tpu.core_type<tc>, window_params = [{transform_indices = @transform_0, window_bounds = array<i64: 1, 1, 256>}, {transform_indices = @transform_1, window_bounds = array<i64: 256, 32>}, {pipeline_mode = #tpu.pipeline_mode<synchronous>, transform_indices = @transform_2, window_bounds = array<i64: 8192, 32>}, {transform_indices = @transform_3, window_bounds = array<i64: 256, 32>}, {transform_indices = @transform_4, window_bounds = array<i64: 1>}]} {
    %get3A = arith.constant 0 : index
    %get3A_0 = arith.constant 0 : index
    %get3A_1 = arith.constant 0 : index
    %get3A_2 = vector.load %arg1[%get3A, %get3A_0, %get3A_1] : memref<1x1x256xi32, #tpu.memory_space<vmem>>, vector<1x1x256xi32>
    %get3A_3 = vector.shape_cast %get3A_2 : vector<1x1x256xi32> to vector<256xi32>
    %get3A_4 = arith.constant 0 : index
    %get3A_5 = arith.constant 0 : index
    %get3A_6 = vector.load %arg2[%get3A_4, %get3A_5] : memref<256x32xf32, #tpu.memory_space<vmem>>, vector<256x32xf32>
    %get3A_7 = arith.constant 0 : index
    %get3A_8 = arith.constant 0 : index
    %get3A_9 = vector.load %arg3[%get3A_7, %get3A_8] : memref<8192x32xf32, #tpu.memory_space<vmem>>, vector<8192x32xf32>
    %iota3A = tpu.iota {dimensions = array<i32: 1>} : vector<256x8192xi32>
    %broadcast_in_dim3A = vector.shape_cast %get3A_3 : vector<256xi32> to vector<256x1xi32>
    %eq3A = vector.broadcast %broadcast_in_dim3A : vector<256x1xi32> to vector<256x8192xi32>
    %eq3A_10 = arith.cmpi eq, %iota3A, %eq3A : vector<256x8192xi32>
    %convert_element_type3A = arith.extui %eq3A_10 : vector<256x8192xi1> to vector<256x8192xi32>
    %convert_element_type3A_11 = arith.sitofp %convert_element_type3A : vector<256x8192xi32> to vector<256x8192xf32>
    %dot_general3A = arith.constant dense<0.000000e+00> : vector<256x32xf32>
    %dot_general3A_12 = tpu.matmul %convert_element_type3A_11, %get3A_9, %dot_general3A {dimension_numbers = #tpu.dot_dimension_numbers<[1], [0], [0], [1], [0, 0, 1, 1], [], []>, transpose_lhs_hint = false} : vector<256x8192xf32>, vector<8192x32xf32>, vector<256x32xf32> -> vector<256x32xf32>
    %swap3A = arith.constant 0 : index
    %swap3A_13 = arith.constant 0 : index
    %swap3A_14 = vector.load %arg4[%swap3A, %swap3A_13] : memref<256x32xf32, #tpu.memory_space<vmem>>, vector<256x32xf32>
    tpu.vector_store %arg4[%swap3A, %swap3A_13], %dot_general3A_12 {strides = array<i32>} : memref<256x32xf32, #tpu.memory_space<vmem>>, vector<256x32xf32>,
    %eq3A_15 = arith.constant 0 : i32
    %eq3A_16 = arith.cmpi eq, %arg0, %eq3A_15 : i32
    %convert_element_type3A_17 = arith.extui %eq3A_16 : i1 to i32
    %cond3A = arith.constant 0 : i32
    %cond3A_18 = arith.cmpi ne, %convert_element_type3A_17, %cond3A : i32
    scf.if %cond3A_18 {
      %swap3A_27 = arith.constant 0.000000e+00 : f32
      %swap3A_28 = arith.constant 0 : index
      %swap3A_29 = memref.load %arg5[%swap3A_28] : memref<1xf32, #tpu.memory_space<smem>>
      memref.store %swap3A_27, %arg5[%swap3A_28] : memref<1xf32, #tpu.memory_space<smem>>
    } else {
    }
    %sub3A = arith.subf %dot_general3A_12, %get3A_6 : vector<256x32xf32>
    %get3A_19 = arith.constant 0 : index
    %get3A_20 = memref.load %arg5[%get3A_19] : memref<1xf32, #tpu.memory_space<smem>>
    %mul3A = arith.mulf %sub3A, %sub3A : vector<256x32xf32>
    %reduce_sum3A = vector.shape_cast %mul3A : vector<256x32xf32> to vector<1x256x32xf32>
    %reduce_sum3A_21 = arith.constant dense<0.000000e+00> : vector<1xf32>
    %reduce_sum3A_22 = vector.multi_reduction <add>, %reduce_sum3A, %reduce_sum3A_21 [1, 2] : vector<1x256x32xf32> to vector<1xf32>
    %reduce_sum3A_23 = vector.shape_cast %reduce_sum3A_22 : vector<1xf32> to vector<1x1x1xf32>
    %reduce_sum3A_24 = vector.extract %reduce_sum3A_23[0, 0, 0] : f32 from vector<1x1x1xf32>
    %add3A = arith.addf %get3A_20, %reduce_sum3A_24 : f32
    %swap3A_25 = arith.constant 0 : index
    %swap3A_26 = memref.load %arg5[%swap3A_25] : memref<1xf32, #tpu.memory_space<smem>>
    memref.store %add3A, %arg5[%swap3A_25] : memref<1xf32, #tpu.memory_space<smem>>
    return
  }
  func.func @transform_0(%arg0: i32) -> (i32, i32, i32) {
    %c0_i32 = arith.constant 0 : i32
    %c0_i32_0 = arith.constant 0 : i32
    %c0_i32_1 = arith.constant 0 : i32
    return %arg0, %c0_i32, %c0_i32_0 : i32, i32, i32
  }
  func.func @transform_1(%arg0: i32) -> (i32, i32) {
    %c0_i32 = arith.constant 0 : i32
    %c0_i32_0 = arith.constant 0 : i32
    return %arg0, %c0_i32 : i32, i32
  }
  func.func @transform_2(%arg0: i32) -> (i32, i32) {
    %c0_i32 = arith.constant 0 : i32
    %c0_i32_0 = arith.constant 0 : i32
    %c0_i32_1 = arith.constant 0 : i32
    return %c0_i32, %c0_i32_0 : i32, i32
  }
  func.func @transform_3(%arg0: i32) -> (i32, i32) {
    %c0_i32 = arith.constant 0 : i32
    %c0_i32_0 = arith.constant 0 : i32
    return %arg0, %c0_i32 : i32, i32
  }
  func.func @transform_4(%arg0: i32) -> i32 {
    %c0_i32 = arith.constant 0 : i32
    %c0_i32_0 = arith.constant 0 : i32
    return %c0_i32 : i32
  }
}

</mosaic_0001>

<sc_bundles>
// kernel: gather_offload_async_start
scs
__scs_entry_jumppad:
0x0: {  	(pc) =	sbr.rel $0x88, $3  }
0x1: {  	(tag) =	ssettag $0x0;
	lr =	simm.s32 $0x1  }
0x2: {  	[smem:$0x3F9F] =	sst lr;
	_ =	strace $0xD0000000  }
0x3: {  	_ = 	snop  }
0x4: {  	_ = 	snop  }
0x5: {  	_ = 	snop  }
0x6: {  	_ = 	snop  }
0x7: {  	_ = 	snop  }
__scs_overlays_trampoline_lowered:
0x8: {  	[smem:$0x3FAE] =	sst s0  }
0x9: {  	[smem:$0x3FAF] =	sst s1  }
0xa: {  	[smem:$0x3FB0] =	sst s2  }
0xb: {  	[smem:$0x3FB1] =	sst s3  }
0xc: {  	[smem:$0x3FB2] =	sst s4  }
0xd: {  	[smem:$0x3FB3] =	sst s5  }
0xe: {  	[smem:$0x3FB4] =	sst s6  }
0xf: {  	[smem:$0x3FB5] =	sst s7  }
0x10: {  	[smem:$0x3FB6] =	sst s8  }
0x11: {  	[smem:$0x3FB7] =	sst s9;
	s0 =	simm.s32 @!p0 $0x0  }
0x12: {  	s1 =	sld [smem:$0x3F9D];
	s0 =	simm.s32 @p0 $0x1  }
0x13: {  	[smem:$0x3FB8] =	sst s0;
	s0 =	simm.s32 @!p1 $0x0  }
0x14: {  	s2 =	sld [smem:$0x3F9C];
	s0 =	simm.s32 @p1 $0x1  }
0x15: {  	[smem:$0x3FB9] =	sst s0;
	s0 =	simm.s32 @!p2 $0x0  }
0x16: {  	s3 =	sld [smem:$0x3FDB];
	s0 =	simm.s32 @p2 $0x1  }
0x17: {  	s4 =	simm.s32 $0x1BF5;
	[smem:$0x3FBB] =	sst s0  }
0x18: {  	s0 =	sld [smem:$0x3F9E];
	_ =	swait.ge [sflag:s4], $0x0  }
0x19: {  	s7 =	sld [smem:$0x3F9F]  }
0x1a: {  	s8 =	sadd.s32 $0xFFFFE003, lr  }
0x1b: {  	s9 =	sadd.s32 $0xFFFFFEF7, lr;
	s5 =	simm.s32 $0xFFFFFFFF;
	p2 =	slt.u32 s8, $0xFFFFF086  }
0x1c: {  	p1 =	slt.u32 s9, $0xF7A;
	s5 =	simm.s32 @!p2 $0x0  }
0x1d: {  	s5 =	simm.s32 @p1 $0x1;
	p0 =	seq.s32 s7, s2  }
0x1e: {  	s7 =	smul.u32 @!p0 $0xF7A, s2;
	p2 =	seq.s32 @!p0 s5, $0x0  }
0x1f: {  	s9 =	smul.u32 $0xF7A, s1;
	s8 =	simm.s32 @!p0 $0x1BF5;
	p2 =	por !p2, p0  }
0x20: {  	[sflag:s8] =	ssyncset.s32 @!p0 $0xFFFFF086;
	s6 =	sadd.s32 @!p0 s3, s7;
	s7 =	simm.s32 @!p0 $0x108  }
0x21: {  	s3 =	sadd.s32 s3, s9;
	s6 =	sadd.s32 @!p0 $0x88, s6;
	s7 =	simm.s32 @p2 $0x1082  }
0x22: {  	[simem:s7], [sflag:s8] =	dma.local @!p0 [hbm:s6], $0xF7A  }
0x23: {  	s9 =	sor.u32 $0xD0000000, s2;
	s6 =	simm.s32 $0x108;
	_ =	swait.ge @!p0 [sflag:s8], $0x0  }
0x24: {  	s3 =	sadd.s32 $0x88, s3;
	s6 =	simm.s32 @!p1 $0x1082;
	[sflag:s4] =	ssyncset.s32 $0xFFFFF086  }
0x25: {  	[simem:s6], [sflag:s4] =	dma.local [hbm:s3], $0xF7A  }
0x26: {  	[smem:$0x3F9F] =	sst s1;
	(tag) =	ssettag s2;
	_ =	strace s9  }
0x27: {  	s1 =	sld [smem:$0x3FAF]  }
0x28: {  	s2 =	sld [smem:$0x3FB0]  }
0x29: {  	s4 =	sld [smem:$0x3FB2]  }
0x2a: {  	p0 =	seq.s32 s5, $0x0;
	s5 =	sld [smem:$0x3FB3]  }
0x2b: {  	s6 =	sld [smem:$0x3FB4]  }
0x2c: {  	s7 =	sld [smem:$0x3FB5]  }
0x2d: {  	s3 =	simm.s32 $0x108;
	s8 =	sld [smem:$0x3FB6]  }
0x2e: {  	s3 =	simm.s32 @!p0 $0x1082;
	s9 =	sld [smem:$0x3FB7]  }
0x2f: {  	lr =	sadd.s32 s0, s3;
	s0 =	sld [smem:$0x3FAE]  }
0x30: {  	s3 =	sld [smem:$0x3FB1]  }
0x31: {  	[smem:$0x3FBA] =	sst s10  }
0x32: {  	s10 =	sld [smem:$0x3FB8];
	_ =	sdelay $0x3  }
0x33: {  	p0 =	seq.s32 s10, $0x1;
	s10 =	sld [smem:$0x3FBA];
	_ =	sdelay $0x3  }
0x34: {  	[smem:$0x3FBA] =	sst s10  }
0x35: {  	s10 =	sld [smem:$0x3FB9];
	_ =	sdelay $0x3  }
0x36: {  	p1 =	seq.s32 s10, $0x1;
	s10 =	sld [smem:$0x3FBA];
	_ =	sdelay $0x3  }
0x37: {  	[smem:$0x3FBA] =	sst s10  }
0x38: {  	s10 =	sld [smem:$0x3FBB]  }
0x39: {  	_ = 	snop;
	(pc) =	sbr.ind lr, $3  }
0x3a: {  	_ = 	snop  }
0x3b: {  	_ = 	snop  }
0x3c: {  	p2 =	seq.s32 s10, $0x1;
	s10 =	sld [smem:$0x3FBA]  }
0x3d: {  	_ =	shalt  }
0x3e: {  	_ =	shalt  }
0x3f: {  	_ =	shalt  }
0x40: {  	_ =	shalt  }
0x41: {  	_ =	shalt  }
0x42: {  	_ =	shalt  }
0x43: {  	_ =	shalt  }
0x44: {  	_ =	shalt  }
0x45: {  	_ =	shalt  }
0x46: {  	_ =	shalt  }
0x47: {  	_ =	shalt  }
0x48: {  	_ =	shalt  }
0x49: {  	_ =	shalt  }
0x4a: {  	_ =	shalt  }
0x4b: {  	_ =	shalt  }
0x4c: {  	_ =	shalt  }
0x4d: {  	_ =	shalt  }
0x4e: {  	_ =	shalt  }
0x4f: {  	_ =	shalt  }
0x50: {  	_ =	shalt  }
0x51: {  	_ =	shalt  }
0x52: {  	_ =	shalt  }
0x53: {  	_ =	shalt  }
0x54: {  	_ =	shalt  }
0x55: {  	_ =	shalt  }
0x56: {  	_ =	shalt  }
0x57: {  	_ =	shalt  }
0x58: {  	_ =	shalt  }
0x59: {  	_ =	shalt  }
0x5a: {  	_ =	shalt  }
0x5b: {  	_ =	shalt  }
0x5c: {  	_ =	shalt  }
0x5d: {  	_ =	shalt  }
0x5e: {  	_ =	shalt  }
0x5f: {  	_ =	shalt  }
0x60: {  	_ =	shalt  }
0x61: {  	_ =	shalt  }
0x62: {  	_ =	shalt  }
0x63: {  	_ =	shalt  }
0x64: {  	_ =	shalt  }
0x65: {  	_ =	shalt  }
0x66: {  	_ =	shalt  }
0x67: {  	_ =	shalt  }
0x68: {  	_ =	shalt  }
0x69: {  	_ =	shalt  }
0x6a: {  	_ =	shalt  }
0x6b: {  	_ =	shalt  }
0x6c: {  	_ =	shalt  }
0x6d: {  	_ =	shalt  }
0x6e: {  	_ =	shalt  }
0x6f: {  	_ =	shalt  }
0x70: {  	_ =	shalt  }
0x71: {  	_ =	shalt  }
0x72: {  	_ =	shalt  }
0x73: {  	_ =	shalt  }
0x74: {  	_ =	shalt  }
0x75: {  	_ =	shalt  }
0x76: {  	_ =	shalt  }
0x77: {  	_ =	shalt  }
0x78: {  	_ =	shalt  }
0x79: {  	_ =	shalt  }
0x7a: {  	_ =	shalt  }
0x7b: {  	_ =	shalt  }
0x7c: {  	_ =	shalt  }
0x7d: {  	_ =	shalt  }
0x7e: {  	_ =	shalt  }
0x7f: {  	_ =	shalt  }
0x80: {  	_ =	shalt  }
0x81: {  	_ =	shalt  }
0x82: {  	_ =	shalt  }
0x83: {  	_ =	shalt  }
0x84: {  	_ =	shalt  }
0x85: {  	_ =	shalt  }
0x86: {  	_ =	shalt  }
0x87: {  	_ =	shalt  }
.Lfunc_end0:
.L_simem_size_0:
called_computation_lowered:
.L_overlay_start_0:
0x88: {  	s2 =	sld [smem:$0x3FD9]  }
0x89: {  	s3 =	sld [smem:$0x3FFE];
	_ =	sdelay $0x1  }
0x8a: {  	s1 =	srdreg.scid  }
0x8b: {  	s0 =	sand.u32 $0x1, s1  }
0x8c: {  	s14 =	sshll.u32 s0, $0xA;
	s2 =	sadd.s32 s3, s2  }
0x8d: {  	s2 =	sadd.s32 s2, s14  }
0x8e: {  	[smem:$0x3FC6] =	sst s2  }
0x8f: {  	_ = 	snop  }
0x90: {  	s2 =	sld [smem:$0x3FD0];
	_ =	sdelay $0x2  }
0x91: {  	s15 =	simm.s32 $0xA;
	s4 =	simm.s32 $0x10  }
0x92: {  	[smem:s4], [sflag:s15] =	dma.local [hbm:s2], $0x1  }
0x93: {  	_ =	swait.eq [sflag:s15], $0x1  }
0x94: {  	[sflag:s15] =	ssyncset.done $0x0  }
0x95: {  	s16 =	sld [smem:$0x10];
	[sflag:s15] =	ssyncadd.s32 $0xFFFFFFFF  }
0x96: {  	s17 =	sld [smem:$0x11];
	(tm) =	ssettm $0x1  }
0x97: {  	s18 =	sld [smem:$0x3FFB];
	_ =	sdelay $0x3  }
0x98: {  	_ =	strace s18  }
0x99: {  	s4 =	sld [smem:$0x3FFC];
	_ =	sdelay $0x3  }
0x9a: {  	_ =	strace s4  }
0x9b: {  	s4 =	sld [smem:$0x3FFD];
	_ =	sdelay $0x3  }
0x9c: {  	_ =	strace s4  }
0x9d: {  	_ =	strace $0x8FFFFFFF  }
0x9e: {  	s19 =	sld [smem:$0x3FDB];
	_ =	sdelay $0x1  }
0x9f: {  	s5 =	simm.s32 $_scs_section_size  }
0xa0: {  	s6 =	simm.s32 $_size__tile_overlayer_lowered;
	s7 =	simm.s32 $_tile_overlayer_lowered  }
0xa1: {  	s22 =	simm.s32 $0x1BFF;
	s21 =	sshll.u32 s7, $0x1;
	s4 =	sadd.s32 s5, s19  }
0xa2: {  	s8 =	simm.s32 $0x0;
	s20 =	sshll.u32 s6, $0x1;
	s6 =	sadd.s32 s21, s4  }
0xa3: {  	[timem:s8], [sflag:s22] =	dma.local [hbm:s6], s20  }
0xa4: {  	_ =	swait.ge [sflag:s22], s20  }
0xa5: {  	s5 =	ssub.s32 $0x0, s20;
	[sflag:s22] =	ssyncset.done $0x0  }
0xa6: {  	[sflag:s22] =	ssyncadd.s32 s5;
	_ =	sdelay $0x1  }
0xa7: {  	s23 =	simm.s32 $0x1B8B  }
0xa8: {  	_ =	swait.ge [sflag:s23], $0x1  }
0xa9: {  	[sflag:s23] =	ssyncset.done $0x0  }
0xaa: {  	s25 =	simm.s32 $0x1B8E;
	s24 =	sld [smem:$0x3FFE];
	[sflag:s23] =	ssyncadd.s32 $0xFFFFFFFF  }
0xab: {  	s26 =	simm.s32 $execute0_lowered;
	[smem:$0x3FD2] =	sst s25  }
0xac: {  	s6 =	sshll.u32 s26, $0x1;
	_ =	strace $0x80000046;
	[dreg:$0x1] =	wrdreg $0xFFFFFFFF  }
0xad: {  	s28 =	simm.s32 $_size_execute0_lowered;
	s4 =	sadd.s32 s4, s6;
	[dreg:$0x0] =	wrdreg $0x0  }
0xae: {  	s6 =	sshll.u32 s28, $0x1;
	[dreg:$0x2] =	wrdreg s4  }
0xaf: {  	[dreg:$0x3] =	wrdreg s6  }
0xb0: {  	[dreg:$0x4] =	wrdreg $0xC0  }
0xb1: {  	_ =	task [dreg:s8], $0x5FFFF  }
0xb2: {  	[dreg:$0x1] =	wrdreg $0xFFFFFFFF  }
0xb3: {  	[dreg:$0x0] =	wrdreg $0x60  }
0xb4: {  	[dreg:$0x2] =	wrdreg s17  }
0xb5: {  	[dreg:$0x3] =	wrdreg s24  }
0xb6: {  	[dreg:$0x4] =	wrdreg s16  }
0xb7: {  	[dreg:$0x5] =	wrdreg $0x9  }
0xb8: {  	_ =	task.clear_ibuf [dreg:s8], $0x6FFFF;
	_ =	strace $0x90000046  }
0xb9: {  	s29 =	simm.s32 $0x9;
	_ =	strace $0x80000048  }
0xba: {  	_ =	swait.ge [sflag:s29], $0x1  }
0xbb: {  	[sflag:s29] =	ssyncadd.s32 $0xFFFFFFFF  }
0xbc: {  	_ =	strace $0x90000048  }
0xbd: {  	_ =	sfence  }
0xbe: {  	s30 =	sld [smem:$0x0];
	_ =	sdelay $0x2  }
0xbf: {  	s31 =	sshll.u32 s1, $0xD;
	s1 =	sshrl.u32 s1, $0x2  }
0xc0: {  	s3 =	sand.u32 $0x4000, s31;
	s1 =	sadd.s32 s1, s30  }
0xc1: {  	s0 =	sor.u32 s3, s0;
	s1 =	sshll.u32 s1, $0x11  }
0xc2: {  	s0 =	sor.u32 s1, s0  }
0xc3: {  	s0 =	sadd.s32 $0x8F2B, s0  }
0xc4: {  	[sflag:s0] =	ssyncadd.remote.s32 $0x1  }
0xc5: {  	_ =	sfence.sel $0xFFFF  }
0xc6: {  	[dreg:$0x0] =	wrdreg $0xFFFFFFFF;
	(pc) =	sbr.abs _section_cstart, $3  }
0xc7: {  	[dreg:$0x1] =	wrdreg $0xFFFFFFFF  }
0xc8: {  	_ =	task.clear_ibuf [dreg:s8], $0x2FFFF;
	_ =	strace $0x9FFFFFFF  }
0xc9: {  	(tm) =	ssettm $0x7FFFFFFF  }
tec
execute0_lowered:
.L_overlay_start_1:
0x0: {  	(tag) =	ssettag $0x1  }
0x1: {  	s2 =	rddreg [dreg:$0x0]  }
0x2: {  	s7 =	rddreg [dreg:$0x1]  }
0x3: {  	s3 =	rddreg [dreg:$0x2]  }
0x4: {  	s0 =	rddreg [dreg:$0x3];
	s1 =	srdreg.scid;
	_ =	strace $0x80000047  }
0x5: {  	s4 =	simm.s32 $0x1;
	s9 =	simm.s32 $0x3;
	s5 =	sshll.u32 s1, $0x4  }
.Ltmp0:
0x6: {  	s1 =	stileid.u32;
	s5 =	sand.u32 $0x10, s5;
	(pc) =	sbr.rel .LBB2_1-.Ltmp0, $4  }
0x7: {  	s12 =	simm.s32 $0x0;
	s10 =	simm.s32 $0x0;
	s6 =	sor.u32 s1, s5  }
0x8: {  	[sflag:s4] =	ssyncpa.u1 $0x0;
	s5 =	simm.s32 $0x2;
	s6 =	sshll.u32 s6, $0x8  }
0x9: {  	s7 =	sadd.s32 $0xA00, s7;
	[sflag:s5] =	ssyncpa.u1 $0x0;
	s8 =	sadd.s32 $0x100, s6  }
0xa: {  	vm0 =	vmmov $0xff;
	vm1 =	vcmask $0x3F20;
	[sflag:s9] =	ssyncpa.u1 $0x0;
	s9 =	simm.s32 $0x100;
	s11 =	smov.u32 s6  }
.LBB2_9:
0xb: {  	p0 =	seq.s32 s10, $0x2  }
.Ltmp1:
0xc: {  	_ = 	snop;
	(pc) =	sbr.rel @p0 .LBB2_11-.Ltmp1, $1  }
0xd: {  	_ =	sdelay $0x3  }
.LBB2_10:
0xe: {  	s12 =	sadd.s32 $0x100, s11  }
0xf: {  	s13 =	smov.u32 s6;
	p0 =	slt.s32 s12, s8  }
0x10: {  	s13 =	smov.u32 @p0 s12  }
0x11: {  	s10 =	sadd.s32 $0x1, s10;
	s12 =	smov.u32 s11;
	s11 =	smov.u32 s13  }
.LBB2_1:
0x12: {  	p0 =	sne.s32 s10, $0x0  }
.Ltmp2:
0x13: {  	_ = 	snop;
	(pc) =	sbr.rel @!p0 .LBB2_2-.Ltmp2, $1  }
0x14: {  	_ =	sdelay $0x3  }
0x15: {  	s13 =	sand.u32 $0x1, s10  }
0x16: {  	p0 =	seq.s32 s13, $0x0  }
.Ltmp3:
0x17: {  	_ = 	snop;
	(pc) =	sbr.rel @p0 .LBB2_9-.Ltmp3, $1  }
0x18: {  	_ =	sdelay $0x3  }
0x19: {  	_ =	swait.ge [sflag:s5], $0x100  }
0x1a: {  	[sflag:s5] =	ssyncset.done $0x0  }
0x1b: {  	s13 =	simm.s32 $0x0;
	[sflag:s5] =	ssyncadd.s32 $0xFFFFFF00  }
0x1c: {  	v0 =	vld.msk [tilespmem:s13+$0x100 ss:$0x1], $0xffff;
	_ =	sdelay $0x4  }
0x1d: {  	vm2 =	vgt.s32 v0, $0x0  }
0x1e: {  	v0 =	vnsel vm2, $0x0, v0  }
0x1f: {  	v0 =	vmin.u32 v0, $0x3FFF  }
0x20: {  	v0 =	vshll.u32 v0, $0x4;
	_ =	sdelay $0x3  }
0x21: {  	s13 =	simm.s32 $0x8200  }
0x22: {  	[tilespmem:s13], [sflag:$0x1] =	stream.indirect_vreg.gather [hbm:s2], $0x80, v0, vm0, $0x38;
	[tilespmem:$0x10200] =	vst v63  }
0x23: {  	s14 =	simm.s32 $0x8600;
	s31 =	simm.s32 $0x10  }
0x24: {  	[tilespmem:s14], [sflag:$0x1] =	stream.indirect_vreg.gather [hbm:s2], $0x80, v0, vm1, $0x38;
	[tilespmem:$0x10200] =	vst v63  }
0x25: {  	s14 =	simm.s32 $0x80;
	v0 =	vld.msk [tilespmem:s31+$0x100 ss:$0x1], $0xffff  }
.LBB2_5:
0x26: {  	p0 =	sne.s32 s14, $0x3C0;
	_ =	sdelay $0x4  }
0x27: {  	vm2 =	vgt.s32 v0, $0x0  }
0x28: {  	v0 =	vnsel vm2, $0x0, v0  }
0x29: {  	v0 =	vmin.u32 v0, $0x3FFF  }
0x2a: {  	v0 =	vshll.u32 v0, $0x4;
	_ =	sdelay $0x3  }
.Ltmp4:
0x2b: {  	s13 =	sadd.s32 $0x800, s13;
	(pc) =	sbr.rel @p0 .LBB2_5-.Ltmp4, $4  }
0x2c: {  	[tilespmem:s13], [sflag:$0x1] =	stream.indirect_vreg.gather [hbm:s2], $0x80, v0, vm0, $0x38;
	[tilespmem:$0x10200] =	vst v63  }
0x2d: {  	s15 =	sshra.s32 s14, $0x2;
	s16 =	sadd.s32 $0x400, s13  }
0x2e: {  	[tilespmem:s16], [sflag:$0x1] =	stream.indirect_vreg.gather [hbm:s2], $0x80, v0, vm1, $0x38;
	[tilespmem:$0x10200] =	vst v63  }
0x2f: {  	s14 =	sadd.s32 $0x40, s14;
	v0 =	vld.msk [tilespmem:s15+$0x100 ss:$0x1], $0xffff  }
0x30: {  	_ =	sdelay $0x3  }
0x31: {  	vm2 =	vgt.s32 v0, $0x0  }
0x32: {  	v0 =	vnsel vm2, $0x0, v0  }
0x33: {  	v0 =	vmin.u32 v0, $0x3FFF  }
0x34: {  	v0 =	vshll.u32 v0, $0x4;
	_ =	sdelay $0x3  }
0x35: {  	s13 =	sadd.s32 $0x800, s13  }
0x36: {  	[tilespmem:s13], [sflag:$0x1] =	stream.indirect_vreg.gather [hbm:s2], $0x80, v0, vm0, $0x38;
	[tilespmem:$0x10200] =	vst v63  }
0x37: {  	s13 =	sadd.s32 $0x400, s13  }
0x38: {  	[tilespmem:s13], [sflag:$0x1] =	stream.indirect_vreg.gather [hbm:s2], $0x80, v0, vm1, $0x38;
	[tilespmem:$0x10200] =	vst v63  }
0x39: {  	s12 =	sshll.u32 s12, $0x4;
	s14 =	simm.s32 $0x80;
	_ =	swait.ge [sflag:s4], $0x8000  }
0x3a: {  	s15 =	simm.s32 $0x8600;
	s12 =	sadd.s32 s12, s3;
	[sflag:s4] =	ssyncset.done $0x0  }
0x3b: {  	s16 =	sadd.s32 $0x0, s12;
	s13 =	simm.s32 $0x8200;
	[sflag:s4] =	ssyncadd.s32 $0xFFFF8000  }
.LBB2_7:
0x3c: {  	[hbm:s16] =	stream.linear.scatter [tilespmem:s13], [sflag:$0x3], $0x400, $0x38;
	[tilespmem:$0x10200] =	vst v63  }
0x3d: {  	s16 =	smov.u32 s14;
	s13 =	smov.u32 s15;
	p0 =	sne.s32 s14, $0xF80  }
.Ltmp5:
0x3e: {  	s14 =	sadd.s32 $0x80, s14;
	(pc) =	sbr.rel @p0 .LBB2_7-.Ltmp5, $2  }
0x3f: {  	_ =	sdelay $0x2  }
0x40: {  	s15 =	sadd.s32 $0x400, s15;
	s16 =	sadd.s32 s16, s12  }
.Ltmp6:
0x41: {  	(pc) =	sbr.rel .LBB2_9-.Ltmp6, $2  }
0x42: {  	_ =	sdelay $0x2  }
0x43: {  	[hbm:s16] =	stream.linear.scatter [tilespmem:s13], [sflag:$0x3], $0x400, $0x38;
	[tilespmem:$0x10200] =	vst v63  }
.LBB2_2:
.Ltmp7:
0x44: {  	(pc) =	sbr.rel .LBB2_10-.Ltmp7, $4  }
0x45: {  	_ = 	snop  }
0x46: {  	s12 =	sshrl.u32 s11, $0x3  }
0x47: {  	s13 =	sand.u32 $0x7, s11;
	s12 =	sadd.s32 s7, s12  }
0x48: {  	[tilespmem:s9], [sflag:$0x2] =	stream.linear.gather [hbm4b:s12+s13], $0x100, $0x38;
	[tilespmem:$0x10200] =	vst v63  }
.LBB2_11:
0x49: {  	s2 =	simm.s32 $0x3  }
0x4a: {  	_ =	swait.ge [sflag:s2], $0x8000  }
0x4b: {  	[sflag:s2] =	ssyncset.done $0x0  }
0x4c: {  	[sflag:s2] =	ssyncadd.s32 $0xFFFF8000  }
0x4d: {  	_ =	sfence.sel $0x180000  }
0x4e: {  	s3 =	simm.s32 $0x2;
	[bflag:$0x0] =	sbarrier.arrive $0xFFFF  }
0x4f: {  	[sflag:s3] =	ssyncpa.u1 $0x1  }
0x50: {  	s31 =	simm.s32 $0x1;
	[sflag:s2] =	ssyncpa.u1 $0x1  }
0x51: {  	[sflag:s31] =	ssyncpa.u1 $0x1  }
0x52: {  	p0 =	sne.s32 s1, $0x0;
	_ =	strace $0x90000047  }
0x53: {  	s0 =	sadd.s32 @!p0 $0x100000, s0;
	[bflag:$0x2] =	sbarrier.arrive $0xFFFF  }
0x54: {  	[sflag:s0] =	ssyncadd.tile.s32 @!p0 $0x1;
	_ =	shalt  }
.Lfunc_end2:
_tile_overlayer_lowered:
.L_overlay_start_2:
0x55: {  	(tag) =	ssettag $0x2  }
0x56: {  	s0 =	rddreg [dreg:$0x0];
	s2 =	stileid.u32  }
0x57: {  	s1 =	rddreg [dreg:$0x1];
	p0 =	sne.s32 s2, $0x0  }
0x58: {  	s3 =	rddreg [dreg:$0x2];
	[bflag:$0x3] =	sbarrier.arrive $0xFFFF;
	s2 =	simm.s32 @!p0 $0x1C01  }
0x59: {  	[timem:s3], [sflag:s2] =	dma.local @!p0 [hbm:s0], s1  }
0x5a: {  	s0 =	simm.s32 @!p0 $0x1  }
0x5b: {  	_ =	swait.ge @!p0 [sflag:s0], s1  }
0x5c: {  	s1 =	ssub.s32 @!p0 $0x0, s1;
	[sflag:s0] =	ssyncset.done @!p0 $0x0  }
0x5d: {  	[sflag:s0] =	ssyncadd.s32 @!p0 s1  }
0x5e: {  	[bflag:$0x3] =	sbarrier.arrive $0xFFFF  }
0x5f: {  	_ =	shalt  }

</sc_bundles>
